<compile_context>
chip_gen: v7x
topology: tpu7x:2x2x1
jax: 0.10.2.dev20260603
libtpu: 0.0.44.dev20260713+nightly
codegen_flags: <defaults>
</compile_context>

<pallas_src>
import functools

import jax
import jax.numpy as jnp
from jax import lax
from jax.experimental import pallas as pl
from jax.experimental.pallas import tpu as pltpu
from jax.experimental.pallas import tpu_sc as plsc

N_TOK = 4096
N_CODE = 4096
C_DIM = 512
N_BLK = 1024
K_BLK = 1024
T_PER_B = 1024
NW = 32
BPW = N_TOK // NW


_NEG_LOG2E = -1.4426950408889634


def _stats_body(sf_ref, cb_ref, t_ref, hard_ref, h_ref, idx_ref, cb2_s, bsq_s):
    n = pl.program_id(0)
    ft = sf_ref[0]
    asq = jnp.sum(ft * ft, axis=0, keepdims=True)

    @pl.when(n == 0)
    def _():
        cb_all = cb_ref[...]
        cb2_s[...] = cb_all * -2.0
        bsq_s[...] = jnp.sum(cb_all * cb_all, axis=1, keepdims=True)

    fiota = lax.broadcasted_iota(jnp.int32, (K_BLK, N_BLK), 0).astype(
        jnp.float32)

    def kstep(kk, carry):
        rmin, z, s1, bi = carry
        cb2 = cb2_s[kk * K_BLK:(kk + 1) * K_BLK, :]
        bsq = bsq_s[kk * K_BLK:(kk + 1) * K_BLK, :]
        g2 = jnp.dot(cb2, ft, preferred_element_type=jnp.float32)
        t1 = bsq + g2
        btmin = jnp.min(t1, axis=0, keepdims=True)
        bidx = jnp.min(jnp.where(t1 == btmin, fiota, jnp.float32(N_CODE)),
                       axis=0, keepdims=True) + jnp.float32(kk * K_BLK)
        sq = jnp.maximum(asq + t1, 1e-30)
        d = sq * lax.rsqrt(sq)
        p = jnp.exp2(d * _NEG_LOG2E)
        z_new = z + jnp.sum(p, axis=0, keepdims=True)
        s1_new = s1 + jnp.sum(p * d, axis=0, keepdims=True)
        bi_new = jnp.where(btmin < rmin, bidx, bi)
        return jnp.minimum(rmin, btmin), z_new, s1_new, bi_new

    carry = (jnp.full((1, N_BLK), jnp.inf, jnp.float32),
             jnp.zeros((1, N_BLK), jnp.float32),
             jnp.zeros((1, N_BLK), jnp.float32),
             jnp.zeros((1, N_BLK), jnp.float32))
    for kk in range(N_CODE // K_BLK):
        carry = kstep(kk, carry)
    _, z, s1, bi = carry
    h_ref[0] = jnp.log(z) + s1 / z
    h = bi.astype(jnp.int32)
    hard_ref[0] = h
    t = t_ref[0]
    idx_ref[0] = (((t >> 3) << 15) + ((h >> 7) << 10)
                  + ((t & 7) << 7) + (h & 127))


def _stats_call(student_features, codebook, teacher3, interpret=False):
    grid = (N_TOK // N_BLK,)
    blocks_per_b = T_PER_B // N_BLK
    return pl.pallas_call(
        _stats_body,
        grid=grid,
        in_specs=[
            pl.BlockSpec((1, C_DIM, N_BLK),
                         lambda n: (n // blocks_per_b, 0, n % blocks_per_b)),
            pl.BlockSpec((N_CODE, C_DIM), lambda n: (0, 0)),
            pl.BlockSpec((1, 1, N_BLK), lambda n: (n, 0, 0)),
        ],
        out_specs=[
            pl.BlockSpec((1, 1, N_BLK), lambda n: (n, 0, 0)),
            pl.BlockSpec((1, 1, N_BLK), lambda n: (n, 0, 0)),
            pl.BlockSpec((1, 1, N_BLK), lambda n: (n, 0, 0)),
        ],
        out_shape=[
            jax.ShapeDtypeStruct((N_TOK // N_BLK, 1, N_BLK), jnp.int32),
            jax.ShapeDtypeStruct((N_TOK // N_BLK, 1, N_BLK), jnp.float32),
            jax.ShapeDtypeStruct((N_TOK // N_BLK, 1, N_BLK), jnp.int32),
        ],
        scratch_shapes=[
            pltpu.VMEM((N_CODE, C_DIM), jnp.float32),
            pltpu.VMEM((N_CODE, 1), jnp.float32),
        ],
        compiler_params=pltpu.CompilerParams(
            dimension_semantics=("arbitrary",)),
        interpret=interpret,
    )(student_features, codebook, teacher3)


@functools.cache
def _make_gather_fn():
    @functools.partial(
        pl.kernel,
        mesh=plsc.VectorSubcoreMesh(core_axis_name="c", subcore_axis_name="s"),
        out_type=jax.ShapeDtypeStruct((N_TOK,), jnp.float32),
        scratch_types=[
            pltpu.VMEM((BPW,), jnp.int32),
            pltpu.VMEM((BPW,), jnp.float32),
            pltpu.SemaphoreType.DMA,
        ],
    )
    def _gather_fn(dm_hbm, i_hbm, out_hbm, idx_v, val_v, sem):
        wid = lax.axis_index("s") * 2 + lax.axis_index("c")
        base = wid * BPW
        pltpu.sync_copy(i_hbm.at[pl.ds(base, BPW)], idx_v)
        pltpu.async_copy(dm_hbm.at[idx_v], val_v, sem).wait()
        pltpu.sync_copy(val_v, out_hbm.at[pl.ds(base, BPW)])

    return _gather_fn


def _reduce_body(ste_ref, hard_ref, t_ref, hrow_ref,
                 loss_ref, match_ref, ent_ref, std_ref):
    ste = ste_ref[...]
    n = jnp.float32(N_TOK)
    mean = jnp.sum(ste, axis=(0, 1), keepdims=True) / n
    loss_ref[...] = mean
    match_ref[...] = jnp.sum(
        (hard_ref[...] == t_ref[...]).astype(jnp.float32),
        axis=(0, 1), keepdims=True) / n
    ent_ref[...] = jnp.sum(hrow_ref[...], axis=(0, 1), keepdims=True) / n
    std_ref[...] = jnp.sqrt(
        jnp.sum((ste - mean) ** 2, axis=(0, 1), keepdims=True) / (n - 1.0))


def _reduce_call(ste, hard, teacher, hrow, interpret=False):
    outs = pl.pallas_call(
        _reduce_body,
        out_shape=[jax.ShapeDtypeStruct((1, 1), jnp.float32)] * 4,
        interpret=interpret,
    )(ste, hard, teacher, hrow)
    return tuple(o.reshape(()) for o in outs)


def kernel(student_features, teacher_codes, codebook, distance_matrix):
    if teacher_codes.ndim == 3:
        teacher2 = teacher_codes[0]
    else:
        teacher2 = jnp.squeeze(teacher_codes, axis=1)
    teacher = teacher2.reshape(-1).astype(jnp.int32)
    teacher3 = teacher.reshape(N_TOK // N_BLK, 1, N_BLK)

    hard3, hrow3, idx3 = _stats_call(student_features, codebook, teacher3)
    hard = hard3.reshape(-1)

    dm_lin = (distance_matrix.reshape(N_CODE // 8, 8, N_CODE // 128, 128)
              .transpose(0, 2, 1, 3).reshape(-1))
    ste = _make_gather_fn()(dm_lin, idx3.reshape(-1))

    loss, match, ent, std = _reduce_call(
        ste.reshape(NW, BPW), hard.reshape(NW, BPW),
        teacher.reshape(NW, BPW), hrow3.reshape(NW, BPW))
    return (loss, match, ent, std)

# --- scband reference (transcript-rebuilt; emitter-appended) ---
"""Pipeline reference for scband-stedistance-loss-44263932953087 (READ-ONLY COPY).

The authoritative reference and input builder live on the scoring server;
editing this copy changes nothing except your own understanding.
"""

import jax, jax.numpy as jnp
import numpy as np

TEMPERATURE = 1.0


def setup_inputs(seed: int = 0) -> dict:
    key = jax.random.key(seed)
    k1, k2, k3, k4 = jax.random.split(key, 4)
    student_features = jax.random.normal(k1, (4, 512, 1024), dtype=jnp.float32)
    teacher_codes = jax.random.randint(k2, (8, 4, 1024), 0, 4096, dtype=jnp.int32)
    codebook = jax.random.normal(k3, (4096, 512), dtype=jnp.float32)
    distance_matrix = jax.random.uniform(k4, (4096, 4096), dtype=jnp.float32)
    return {
        "student_features": student_features,
        "teacher_codes": teacher_codes,
        "codebook": codebook,
        "distance_matrix": distance_matrix,
    }


def _cdist(a, b):
    # Euclidean pairwise distances, same math as torch.cdist(p=2)
    a_sq = jnp.sum(a * a, axis=1, keepdims=True)
    b_sq = jnp.sum(b * b, axis=1)[None, :]
    sq = a_sq + b_sq - 2.0 * (a @ b.T)
    return jnp.sqrt(jnp.maximum(sq, 0.0))


def reference(student_features, teacher_codes, codebook, distance_matrix):
    B, C, T_feat = student_features.shape
    if teacher_codes.ndim == 3:
        teacher_codes_2d = teacher_codes[0]
    else:
        teacher_codes_2d = jnp.squeeze(teacher_codes, axis=1)
    T_code = teacher_codes_2d.shape[1]
    T = min(T_feat, T_code)
    features_truncated = student_features[:, :, :T]
    features_flat = jnp.transpose(features_truncated, (0, 2, 1)).reshape(-1, C)
    distances = _cdist(features_flat, codebook)
    soft_probs = jax.nn.softmax(-distances / TEMPERATURE, axis=-1)
    hard_indices = jnp.argmin(distances, axis=-1)
    hard_one_hot = jax.nn.one_hot(hard_indices, codebook.shape[0], dtype=soft_probs.dtype)
    ste_codes = hard_one_hot - jax.lax.stop_gradient(soft_probs) + soft_probs
    teacher_truncated = teacher_codes_2d[:, :T]
    teacher_flat = teacher_truncated.reshape(-1)
    teacher_distances = jnp.take(distance_matrix, teacher_flat, axis=0)
    ste_distance = jnp.sum(ste_codes * teacher_distances, axis=-1)
    ste_distance_loss = jnp.mean(ste_distance)
    code_match_rate = jnp.mean((hard_indices == teacher_flat).astype(jnp.float32))
    entropy = -jnp.mean(jnp.sum(soft_probs * jnp.log(soft_probs + 1e-10), axis=-1))
    ste_distance_std = jnp.std(ste_distance, ddof=1)
    return (ste_distance_loss, code_match_rate, entropy, ste_distance_std)

if __name__ == "__main__":
    import jax
    _d = setup_inputs()
    print(jax.jit(kernel)(*tuple(_d.values())))

</pallas_src>

<mosaic_0001>
#map = affine_map<(d0, d1) -> (0)>
module attributes {stable_mosaic.version = 14 : i64} {
  func.func @_gather_fn(%arg0: i32, %arg1: i32, %arg2: memref<16777216xf32, #tpu.memory_space<hbm>>, %arg3: memref<4096xi32, #tpu.memory_space<hbm>>, %arg4: memref<4096xf32, #tpu.memory_space<hbm>>, %arg5: memref<128xi32, #tpu.memory_space<vmem>>, %arg6: memref<128xf32, #tpu.memory_space<vmem>>, %arg7: memref<!tpu.dma_semaphore, #tpu.memory_space<semaphore_mem>>) attributes {dimension_semantics = [#tpu.dimension_semantics<core_parallel>, #tpu.dimension_semantics<subcore_parallel>], iteration_bounds = array<i64: 2, 16>, scalar_prefetch = 0 : i64, scratch_operands = 3 : i64, tpu.core_type = #tpu.core_type<sc_vector_subcore>, window_params = [{transform_indices = #map}, {transform_indices = #map}, {transform_indices = #map}]} {
    %mul3A = arith.constant 2 : i32
    %mul3A_0 = arith.muli %arg1, %mul3A : i32
    %add3A = arith.addi %mul3A_0, %arg0 : i32
    %mul3A_1 = arith.constant 128 : i32
    %mul3A_2 = arith.muli %add3A, %mul3A_1 : i32
    "tpu.region"() ({
      %run_scoped3A = tpu.sem_alloc : memref<!tpu.dma_semaphore, #tpu.memory_space<semaphore_mem>>
      %dma_start3A_5 = tpu.memref_slice %arg3[%mul3A_2] : memref<4096xi32, #tpu.memory_space<hbm>> -> memref<128xi32, #tpu.memory_space<hbm>>
      %dma_start3A_6 = tpu.memref_slice %arg3[%mul3A_2] : memref<4096xi32, #tpu.memory_space<hbm>> -> memref<128xi32, #tpu.memory_space<hbm>>
      tpu.enqueue_dma source(%dma_start3A_6 : memref<128xi32, #tpu.memory_space<hbm>>) target(%arg5 : memref<128xi32, #tpu.memory_space<vmem>>) target_semaphore(%run_scoped3A : memref<!tpu.dma_semaphore, #tpu.memory_space<semaphore_mem>>)
      %dma_wait3A_7 = tpu.memref_slice %arg3[%mul3A_2] : memref<4096xi32, #tpu.memory_space<hbm>> -> memref<128xi32, #tpu.memory_space<hbm>>
      %dma_wait3A_8 = tpu.memref_slice %arg3[%mul3A_2] : memref<4096xi32, #tpu.memory_space<hbm>> -> memref<128xi32, #tpu.memory_space<hbm>>
      tpu.wait_dma2 semaphore(%run_scoped3A : memref<!tpu.dma_semaphore, #tpu.memory_space<semaphore_mem>>) src(%dma_wait3A_8 : memref<128xi32, #tpu.memory_space<hbm>>) dst(%arg5 : memref<128xi32, #tpu.memory_space<vmem>>)
      tpu.yield
    }) : () -> ()
    %dma_start3A = arith.constant 0 : i32
    %dma_start3A_3 = tpu.memref_slice %arg2[%dma_start3A] : memref<16777216xf32, #tpu.memory_space<hbm>> -> memref<16777216xf32, #tpu.memory_space<hbm>>
    tpu.enqueue_indirect_dma source(%dma_start3A_3 : memref<16777216xf32, #tpu.memory_space<hbm>>) target(%arg6 : memref<128xf32, #tpu.memory_space<vmem>>) offsets(%arg5 : memref<128xi32, #tpu.memory_space<vmem>>) semaphore(%arg7 : memref<!tpu.dma_semaphore, #tpu.memory_space<semaphore_mem>>)
    %dma_wait3A = arith.constant 0 : i32
    %dma_wait3A_4 = tpu.memref_slice %arg2[%dma_wait3A] : memref<16777216xf32, #tpu.memory_space<hbm>> -> memref<16777216xf32, #tpu.memory_space<hbm>>
    tpu.wait_indirect_dma semaphore(%arg7 : memref<!tpu.dma_semaphore, #tpu.memory_space<semaphore_mem>>) src(%dma_wait3A_4 : memref<16777216xf32, #tpu.memory_space<hbm>>) dst(%arg6 : memref<128xf32, #tpu.memory_space<vmem>>)
    "tpu.region"() ({
      %run_scoped3A = tpu.sem_alloc : memref<!tpu.dma_semaphore, #tpu.memory_space<semaphore_mem>>
      %dma_start3A_5 = tpu.memref_slice %arg4[%mul3A_2] : memref<4096xf32, #tpu.memory_space<hbm>> -> memref<128xf32, #tpu.memory_space<hbm>>
      %dma_start3A_6 = tpu.memref_slice %arg4[%mul3A_2] : memref<4096xf32, #tpu.memory_space<hbm>> -> memref<128xf32, #tpu.memory_space<hbm>>
      tpu.enqueue_dma source(%arg6 : memref<128xf32, #tpu.memory_space<vmem>>) target(%dma_start3A_6 : memref<128xf32, #tpu.memory_space<hbm>>) target_semaphore(%run_scoped3A : memref<!tpu.dma_semaphore, #tpu.memory_space<semaphore_mem>>)
      %dma_wait3A_7 = tpu.memref_slice %arg4[%mul3A_2] : memref<4096xf32, #tpu.memory_space<hbm>> -> memref<128xf32, #tpu.memory_space<hbm>>
      %dma_wait3A_8 = tpu.memref_slice %arg4[%mul3A_2] : memref<4096xf32, #tpu.memory_space<hbm>> -> memref<128xf32, #tpu.memory_space<hbm>>
      tpu.wait_dma2 semaphore(%run_scoped3A : memref<!tpu.dma_semaphore, #tpu.memory_space<semaphore_mem>>) src(%arg6 : memref<128xf32, #tpu.memory_space<vmem>>) dst(%dma_wait3A_8 : memref<128xf32, #tpu.memory_space<hbm>>)
      tpu.yield
    }) : () -> ()
    return
  }
}

module attributes {stable_mosaic.version = 14 : i64} {
  func.func @_stats_body(%arg0: i32, %arg1: memref<1x512x1024xf32, #tpu.memory_space<vmem>>, %arg2: memref<4096x512xf32, #tpu.memory_space<vmem>>, %arg3: memref<1x1x1024xi32, #tpu.memory_space<vmem>>, %arg4: memref<1x1x1024xi32, #tpu.memory_space<vmem>>, %arg5: memref<1x1x1024xf32, #tpu.memory_space<vmem>>, %arg6: memref<1x1x1024xi32, #tpu.memory_space<vmem>>, %arg7: memref<4096x512xf32, #tpu.memory_space<vmem>>, %arg8: memref<4096x1xf32, #tpu.memory_space<vmem>>) attributes {dimension_semantics = [#tpu.dimension_semantics<arbitrary>], iteration_bounds = array<i64: 4>, scalar_prefetch = 0 : i64, scratch_operands = 2 : i64, tpu.core_type = #tpu.core_type<tc>, window_params = [{transform_indices = @transform_0, window_bounds = array<i64: 1, 512, 1024>}, {pipeline_mode = #tpu.pipeline_mode<synchronous>, transform_indices = @transform_1, window_bounds = array<i64: 4096, 512>}, {transform_indices = @transform_2, window_bounds = array<i64: 1, 1, 1024>}, {transform_indices = @transform_3, window_bounds = array<i64: 1, 1, 1024>}, {transform_indices = @transform_4, window_bounds = array<i64: 1, 1, 1024>}, {transform_indices = @transform_5, window_bounds = array<i64: 1, 1, 1024>}]} {
    %get3A = arith.constant 0 : index
    %get3A_0 = arith.constant 0 : index
    %get3A_1 = arith.constant 0 : index
    %get3A_2 = vector.load %arg1[%get3A, %get3A_0, %get3A_1] : memref<1x512x1024xf32, #tpu.memory_space<vmem>>, vector<1x512x1024xf32>
    %get3A_3 = vector.shape_cast %get3A_2 : vector<1x512x1024xf32> to vector<512x1024xf32>
    %mul3A = arith.mulf %get3A_3, %get3A_3 : vector<512x1024xf32>
    %reduce_sum3A = arith.constant dense<0.000000e+00> : vector<1024xf32>
    %reduce_sum3A_4 = vector.multi_reduction <add>, %mul3A, %reduce_sum3A [0] : vector<512x1024xf32> to vector<1024xf32>
    %broadcast_in_dim3A = vector.shape_cast %reduce_sum3A_4 : vector<1024xf32> to vector<1x1024xf32>
    %eq3A = arith.constant 0 : i32
    %eq3A_5 = arith.cmpi eq, %arg0, %eq3A : i32
    %convert_element_type3A = arith.extui %eq3A_5 : i1 to i32
    %cond3A = arith.constant 0 : i32
    %cond3A_6 = arith.cmpi ne, %convert_element_type3A, %cond3A : i32
    scf.if %cond3A_6 {
      %get3A_238 = arith.constant 0 : index
      %get3A_239 = arith.constant 0 : index
      %get3A_240 = vector.load %arg2[%get3A_238, %get3A_239] : memref<4096x512xf32, #tpu.memory_space<vmem>>, vector<4096x512xf32>
      %mul3A_241 = arith.constant -2.000000e+00 : f32
      %mul3A_242 = vector.broadcast %mul3A_241 : f32 to vector<4096x512xf32>
      %mul3A_243 = arith.mulf %get3A_240, %mul3A_242 : vector<4096x512xf32>
      %swap3A_244 = arith.constant 0 : index
      %swap3A_245 = arith.constant 0 : index
      %swap3A_246 = vector.load %arg7[%swap3A_244, %swap3A_245] : memref<4096x512xf32, #tpu.memory_space<vmem>>, vector<4096x512xf32>
      tpu.vector_store %arg7[%swap3A_244, %swap3A_245], %mul3A_243 {strides = array<i32>} : memref<4096x512xf32, #tpu.memory_space<vmem>>, vector<4096x512xf32>,
      %mul3A_247 = arith.mulf %get3A_240, %get3A_240 : vector<4096x512xf32>
      %reduce_sum3A_248 = arith.constant dense<0.000000e+00> : vector<4096xf32>
      %reduce_sum3A_249 = vector.multi_reduction <add>, %mul3A_247, %reduce_sum3A_248 [1] : vector<4096x512xf32> to vector<4096xf32>
      %broadcast_in_dim3A_250 = vector.shape_cast %reduce_sum3A_249 : vector<4096xf32> to vector<4096x1xf32>
      %swap3A_251 = arith.constant 0 : index
      %swap3A_252 = arith.constant 0 : index
      %swap3A_253 = vector.load %arg8[%swap3A_251, %swap3A_252] : memref<4096x1xf32, #tpu.memory_space<vmem>>, vector<4096x1xf32>
      tpu.vector_store %arg8[%swap3A_251, %swap3A_252], %broadcast_in_dim3A_250 {strides = array<i32>} : memref<4096x1xf32, #tpu.memory_space<vmem>>, vector<4096x1xf32>,
    } else {
    }
    %iota3A = tpu.iota {dimensions = array<i32: 0>} : vector<1024x1024xi32>
    %convert_element_type3A_7 = arith.sitofp %iota3A : vector<1024x1024xi32> to vector<1024x1024xf32>
    %broadcast_in_dim3A_8 = arith.constant 0x7F800000 : f32
    %broadcast_in_dim3A_9 = vector.broadcast %broadcast_in_dim3A_8 : f32 to vector<1x1024xf32>
    %broadcast_in_dim3A_10 = arith.constant 0.000000e+00 : f32
    %broadcast_in_dim3A_11 = vector.broadcast %broadcast_in_dim3A_10 : f32 to vector<1x1024xf32>
    %broadcast_in_dim3A_12 = arith.constant 0.000000e+00 : f32
    %broadcast_in_dim3A_13 = vector.broadcast %broadcast_in_dim3A_12 : f32 to vector<1x1024xf32>
    %broadcast_in_dim3A_14 = arith.constant 0.000000e+00 : f32
    %broadcast_in_dim3A_15 = vector.broadcast %broadcast_in_dim3A_14 : f32 to vector<1x1024xf32>
    %get3A_16 = arith.constant 0 : index
    %get3A_17 = arith.constant 0 : index
    %get3A_18 = vector.load %arg7[%get3A_16, %get3A_17] : memref<4096x512xf32, #tpu.memory_space<vmem>>, vector<1024x512xf32>
    %get3A_19 = arith.constant 0 : index
    %get3A_20 = arith.constant 0 : index
    %get3A_21 = vector.load %arg8[%get3A_19, %get3A_20] : memref<4096x1xf32, #tpu.memory_space<vmem>>, vector<1024x1xf32>
    %dot_general3A = arith.constant dense<0.000000e+00> : vector<1024x1024xf32>
    %dot_general3A_22 = tpu.matmul %get3A_18, %get3A_3, %dot_general3A {dimension_numbers = #tpu.dot_dimension_numbers<[1], [0], [0], [1], [0, 0, 1, 1], [], []>, transpose_lhs_hint = false} : vector<1024x512xf32>, vector<512x1024xf32>, vector<1024x1024xf32> -> vector<1024x1024xf32>
    %add3A = vector.broadcast %get3A_21 : vector<1024x1xf32> to vector<1024x1024xf32>
    %add3A_23 = arith.addf %add3A, %dot_general3A_22 : vector<1024x1024xf32>
    %reduce_min3A = arith.constant dense<0x7F800000> : vector<1024xf32>
    %reduce_min3A_24 = vector.multi_reduction <minimumf>, %add3A_23, %reduce_min3A [0] : vector<1024x1024xf32> to vector<1024xf32>
    %broadcast_in_dim3A_25 = vector.shape_cast %reduce_min3A_24 : vector<1024xf32> to vector<1x1024xf32>
    %eq3A_26 = vector.broadcast %broadcast_in_dim3A_25 : vector<1x1024xf32> to vector<1024x1024xf32>
    %eq3A_27 = arith.cmpf oeq, %add3A_23, %eq3A_26 : vector<1024x1024xf32>
    %jit3A = arith.constant 4.096000e+03 : f32
    %broadcast_in_dim3A_28 = vector.broadcast %jit3A : f32 to vector<1024x1024xf32>
    %select_n3A = arith.select %eq3A_27, %convert_element_type3A_7, %broadcast_in_dim3A_28 : vector<1024x1024xi1>, vector<1024x1024xf32>
    %reduce_min3A_29 = arith.constant dense<0x7F800000> : vector<1024xf32>
    %reduce_min3A_30 = vector.multi_reduction <minimumf>, %select_n3A, %reduce_min3A_29 [0] : vector<1024x1024xf32> to vector<1024xf32>
    %broadcast_in_dim3A_31 = vector.shape_cast %reduce_min3A_30 : vector<1024xf32> to vector<1x1024xf32>
    %add3A_32 = arith.constant 0.000000e+00 : f32
    %add3A_33 = vector.broadcast %add3A_32 : f32 to vector<1x1024xf32>
    %add3A_34 = arith.addf %broadcast_in_dim3A_31, %add3A_33 : vector<1x1024xf32>
    %add3A_35 = vector.broadcast %broadcast_in_dim3A : vector<1x1024xf32> to vector<1024x1024xf32>
    %add3A_36 = arith.addf %add3A_35, %add3A_23 : vector<1024x1024xf32>
    %max3A = arith.constant 1.000000e-30 : f32
    %max3A_37 = vector.broadcast %max3A : f32 to vector<1024x1024xf32>
    %max3A_38 = arith.maximumf %add3A_36, %max3A_37 : vector<1024x1024xf32>
    %rsqrt3A = math.rsqrt %max3A_38 : vector<1024x1024xf32>
    %mul3A_39 = arith.mulf %max3A_38, %rsqrt3A : vector<1024x1024xf32>
    %mul3A_40 = arith.constant -1.44269502 : f32
    %mul3A_41 = vector.broadcast %mul3A_40 : f32 to vector<1024x1024xf32>
    %mul3A_42 = arith.mulf %mul3A_39, %mul3A_41 : vector<1024x1024xf32>
    %exp23A = math.exp2 %mul3A_42 : vector<1024x1024xf32>
    %reduce_sum3A_43 = arith.constant dense<0.000000e+00> : vector<1024xf32>
    %reduce_sum3A_44 = vector.multi_reduction <add>, %exp23A, %reduce_sum3A_43 [0] : vector<1024x1024xf32> to vector<1024xf32>
    %broadcast_in_dim3A_45 = vector.shape_cast %reduce_sum3A_44 : vector<1024xf32> to vector<1x1024xf32>
    %add3A_46 = arith.addf %broadcast_in_dim3A_11, %broadcast_in_dim3A_45 : vector<1x1024xf32>
    %mul3A_47 = arith.mulf %exp23A, %mul3A_39 : vector<1024x1024xf32>
    %reduce_sum3A_48 = arith.constant dense<0.000000e+00> : vector<1024xf32>
    %reduce_sum3A_49 = vector.multi_reduction <add>, %mul3A_47, %reduce_sum3A_48 [0] : vector<1024x1024xf32> to vector<1024xf32>
    %broadcast_in_dim3A_50 = vector.shape_cast %reduce_sum3A_49 : vector<1024xf32> to vector<1x1024xf32>
    %add3A_51 = arith.addf %broadcast_in_dim3A_13, %broadcast_in_dim3A_50 : vector<1x1024xf32>
    %lt3A = arith.cmpf olt, %broadcast_in_dim3A_25, %broadcast_in_dim3A_9 : vector<1x1024xf32>
    %select_n3A_52 = arith.select %lt3A, %add3A_34, %broadcast_in_dim3A_15 : vector<1x1024xi1>, vector<1x1024xf32>
    %min3A = arith.minimumf %broadcast_in_dim3A_9, %broadcast_in_dim3A_25 : vector<1x1024xf32>
    %get3A_53 = arith.constant 1024 : index
    %get3A_54 = arith.constant 0 : index
    %get3A_55 = vector.load %arg7[%get3A_53, %get3A_54] : memref<4096x512xf32, #tpu.memory_space<vmem>>, vector<1024x512xf32>
    %get3A_56 = arith.constant 1024 : index
    %get3A_57 = arith.constant 0 : index
    %get3A_58 = vector.load %arg8[%get3A_56, %get3A_57] : memref<4096x1xf32, #tpu.memory_space<vmem>>, vector<1024x1xf32>
    %dot_general3A_59 = arith.constant dense<0.000000e+00> : vector<1024x1024xf32>
    %dot_general3A_60 = tpu.matmul %get3A_55, %get3A_3, %dot_general3A_59 {dimension_numbers = #tpu.dot_dimension_numbers<[1], [0], [0], [1], [0, 0, 1, 1], [], []>, transpose_lhs_hint = false} : vector<1024x512xf32>, vector<512x1024xf32>, vector<1024x1024xf32> -> vector<1024x1024xf32>
    %add3A_61 = vector.broadcast %get3A_58 : vector<1024x1xf32> to vector<1024x1024xf32>
    %add3A_62 = arith.addf %add3A_61, %dot_general3A_60 : vector<1024x1024xf32>
    %reduce_min3A_63 = arith.constant dense<0x7F800000> : vector<1024xf32>
    %reduce_min3A_64 = vector.multi_reduction <minimumf>, %add3A_62, %reduce_min3A_63 [0] : vector<1024x1024xf32> to vector<1024xf32>
    %broadcast_in_dim3A_65 = vector.shape_cast %reduce_min3A_64 : vector<1024xf32> to vector<1x1024xf32>
    %eq3A_66 = vector.broadcast %broadcast_in_dim3A_65 : vector<1x1024xf32> to vector<1024x1024xf32>
    %eq3A_67 = arith.cmpf oeq, %add3A_62, %eq3A_66 : vector<1024x1024xf32>
    %jit3A_68 = arith.constant 4.096000e+03 : f32
    %broadcast_in_dim3A_69 = vector.broadcast %jit3A_68 : f32 to vector<1024x1024xf32>
    %select_n3A_70 = arith.select %eq3A_67, %convert_element_type3A_7, %broadcast_in_dim3A_69 : vector<1024x1024xi1>, vector<1024x1024xf32>
    %reduce_min3A_71 = arith.constant dense<0x7F800000> : vector<1024xf32>
    %reduce_min3A_72 = vector.multi_reduction <minimumf>, %select_n3A_70, %reduce_min3A_71 [0] : vector<1024x1024xf32> to vector<1024xf32>
    %broadcast_in_dim3A_73 = vector.shape_cast %reduce_min3A_72 : vector<1024xf32> to vector<1x1024xf32>
    %add3A_74 = arith.constant 1.024000e+03 : f32
    %add3A_75 = vector.broadcast %add3A_74 : f32 to vector<1x1024xf32>
    %add3A_76 = arith.addf %broadcast_in_dim3A_73, %add3A_75 : vector<1x1024xf32>
    %add3A_77 = vector.broadcast %broadcast_in_dim3A : vector<1x1024xf32> to vector<1024x1024xf32>
    %add3A_78 = arith.addf %add3A_77, %add3A_62 : vector<1024x1024xf32>
    %max3A_79 = arith.constant 1.000000e-30 : f32
    %max3A_80 = vector.broadcast %max3A_79 : f32 to vector<1024x1024xf32>
    %max3A_81 = arith.maximumf %add3A_78, %max3A_80 : vector<1024x1024xf32>
    %rsqrt3A_82 = math.rsqrt %max3A_81 : vector<1024x1024xf32>
    %mul3A_83 = arith.mulf %max3A_81, %rsqrt3A_82 : vector<1024x1024xf32>
    %mul3A_84 = arith.constant -1.44269502 : f32
    %mul3A_85 = vector.broadcast %mul3A_84 : f32 to vector<1024x1024xf32>
    %mul3A_86 = arith.mulf %mul3A_83, %mul3A_85 : vector<1024x1024xf32>
    %exp23A_87 = math.exp2 %mul3A_86 : vector<1024x1024xf32>
    %reduce_sum3A_88 = arith.constant dense<0.000000e+00> : vector<1024xf32>
    %reduce_sum3A_89 = vector.multi_reduction <add>, %exp23A_87, %reduce_sum3A_88 [0] : vector<1024x1024xf32> to vector<1024xf32>
    %broadcast_in_dim3A_90 = vector.shape_cast %reduce_sum3A_89 : vector<1024xf32> to vector<1x1024xf32>
    %add3A_91 = arith.addf %add3A_46, %broadcast_in_dim3A_90 : vector<1x1024xf32>
    %mul3A_92 = arith.mulf %exp23A_87, %mul3A_83 : vector<1024x1024xf32>
    %reduce_sum3A_93 = arith.constant dense<0.000000e+00> : vector<1024xf32>
    %reduce_sum3A_94 = vector.multi_reduction <add>, %mul3A_92, %reduce_sum3A_93 [0] : vector<1024x1024xf32> to vector<1024xf32>
    %broadcast_in_dim3A_95 = vector.shape_cast %reduce_sum3A_94 : vector<1024xf32> to vector<1x1024xf32>
    %add3A_96 = arith.addf %add3A_51, %broadcast_in_dim3A_95 : vector<1x1024xf32>
    %lt3A_97 = arith.cmpf olt, %broadcast_in_dim3A_65, %min3A : vector<1x1024xf32>
    %select_n3A_98 = arith.select %lt3A_97, %add3A_76, %select_n3A_52 : vector<1x1024xi1>, vector<1x1024xf32>
    %min3A_99 = arith.minimumf %min3A, %broadcast_in_dim3A_65 : vector<1x1024xf32>
    %get3A_100 = arith.constant 2048 : index
    %get3A_101 = arith.constant 0 : index
    %get3A_102 = vector.load %arg7[%get3A_100, %get3A_101] : memref<4096x512xf32, #tpu.memory_space<vmem>>, vector<1024x512xf32>
    %get3A_103 = arith.constant 2048 : index
    %get3A_104 = arith.constant 0 : index
    %get3A_105 = vector.load %arg8[%get3A_103, %get3A_104] : memref<4096x1xf32, #tpu.memory_space<vmem>>, vector<1024x1xf32>
    %dot_general3A_106 = arith.constant dense<0.000000e+00> : vector<1024x1024xf32>
    %dot_general3A_107 = tpu.matmul %get3A_102, %get3A_3, %dot_general3A_106 {dimension_numbers = #tpu.dot_dimension_numbers<[1], [0], [0], [1], [0, 0, 1, 1], [], []>, transpose_lhs_hint = false} : vector<1024x512xf32>, vector<512x1024xf32>, vector<1024x1024xf32> -> vector<1024x1024xf32>
    %add3A_108 = vector.broadcast %get3A_105 : vector<1024x1xf32> to vector<1024x1024xf32>
    %add3A_109 = arith.addf %add3A_108, %dot_general3A_107 : vector<1024x1024xf32>
    %reduce_min3A_110 = arith.constant dense<0x7F800000> : vector<1024xf32>
    %reduce_min3A_111 = vector.multi_reduction <minimumf>, %add3A_109, %reduce_min3A_110 [0] : vector<1024x1024xf32> to vector<1024xf32>
    %broadcast_in_dim3A_112 = vector.shape_cast %reduce_min3A_111 : vector<1024xf32> to vector<1x1024xf32>
    %eq3A_113 = vector.broadcast %broadcast_in_dim3A_112 : vector<1x1024xf32> to vector<1024x1024xf32>
    %eq3A_114 = arith.cmpf oeq, %add3A_109, %eq3A_113 : vector<1024x1024xf32>
    %jit3A_115 = arith.constant 4.096000e+03 : f32
    %broadcast_in_dim3A_116 = vector.broadcast %jit3A_115 : f32 to vector<1024x1024xf32>
    %select_n3A_117 = arith.select %eq3A_114, %convert_element_type3A_7, %broadcast_in_dim3A_116 : vector<1024x1024xi1>, vector<1024x1024xf32>
    %reduce_min3A_118 = arith.constant dense<0x7F800000> : vector<1024xf32>
    %reduce_min3A_119 = vector.multi_reduction <minimumf>, %select_n3A_117, %reduce_min3A_118 [0] : vector<1024x1024xf32> to vector<1024xf32>
    %broadcast_in_dim3A_120 = vector.shape_cast %reduce_min3A_119 : vector<1024xf32> to vector<1x1024xf32>
    %add3A_121 = arith.constant 2.048000e+03 : f32
    %add3A_122 = vector.broadcast %add3A_121 : f32 to vector<1x1024xf32>
    %add3A_123 = arith.addf %broadcast_in_dim3A_120, %add3A_122 : vector<1x1024xf32>
    %add3A_124 = vector.broadcast %broadcast_in_dim3A : vector<1x1024xf32> to vector<1024x1024xf32>
    %add3A_125 = arith.addf %add3A_124, %add3A_109 : vector<1024x1024xf32>
    %max3A_126 = arith.constant 1.000000e-30 : f32
    %max3A_127 = vector.broadcast %max3A_126 : f32 to vector<1024x1024xf32>
    %max3A_128 = arith.maximumf %add3A_125, %max3A_127 : vector<1024x1024xf32>
    %rsqrt3A_129 = math.rsqrt %max3A_128 : vector<1024x1024xf32>
    %mul3A_130 = arith.mulf %max3A_128, %rsqrt3A_129 : vector<1024x1024xf32>
    %mul3A_131 = arith.constant -1.44269502 : f32
    %mul3A_132 = vector.broadcast %mul3A_131 : f32 to vector<1024x1024xf32>
    %mul3A_133 = arith.mulf %mul3A_130, %mul3A_132 : vector<1024x1024xf32>
    %exp23A_134 = math.exp2 %mul3A_133 : vector<1024x1024xf32>
    %reduce_sum3A_135 = arith.constant dense<0.000000e+00> : vector<1024xf32>
    %reduce_sum3A_136 = vector.multi_reduction <add>, %exp23A_134, %reduce_sum3A_135 [0] : vector<1024x1024xf32> to vector<1024xf32>
    %broadcast_in_dim3A_137 = vector.shape_cast %reduce_sum3A_136 : vector<1024xf32> to vector<1x1024xf32>
    %add3A_138 = arith.addf %add3A_91, %broadcast_in_dim3A_137 : vector<1x1024xf32>
    %mul3A_139 = arith.mulf %exp23A_134, %mul3A_130 : vector<1024x1024xf32>
    %reduce_sum3A_140 = arith.constant dense<0.000000e+00> : vector<1024xf32>
    %reduce_sum3A_141 = vector.multi_reduction <add>, %mul3A_139, %reduce_sum3A_140 [0] : vector<1024x1024xf32> to vector<1024xf32>
    %broadcast_in_dim3A_142 = vector.shape_cast %reduce_sum3A_141 : vector<1024xf32> to vector<1x1024xf32>
    %add3A_143 = arith.addf %add3A_96, %broadcast_in_dim3A_142 : vector<1x1024xf32>
    %lt3A_144 = arith.cmpf olt, %broadcast_in_dim3A_112, %min3A_99 : vector<1x1024xf32>
    %select_n3A_145 = arith.select %lt3A_144, %add3A_123, %select_n3A_98 : vector<1x1024xi1>, vector<1x1024xf32>
    %min3A_146 = arith.minimumf %min3A_99, %broadcast_in_dim3A_112 : vector<1x1024xf32>
    %get3A_147 = arith.constant 3072 : index
    %get3A_148 = arith.constant 0 : index
    %get3A_149 = vector.load %arg7[%get3A_147, %get3A_148] : memref<4096x512xf32, #tpu.memory_space<vmem>>, vector<1024x512xf32>
    %get3A_150 = arith.constant 3072 : index
    %get3A_151 = arith.constant 0 : index
    %get3A_152 = vector.load %arg8[%get3A_150, %get3A_151] : memref<4096x1xf32, #tpu.memory_space<vmem>>, vector<1024x1xf32>
    %dot_general3A_153 = arith.constant dense<0.000000e+00> : vector<1024x1024xf32>
    %dot_general3A_154 = tpu.matmul %get3A_149, %get3A_3, %dot_general3A_153 {dimension_numbers = #tpu.dot_dimension_numbers<[1], [0], [0], [1], [0, 0, 1, 1], [], []>, transpose_lhs_hint = false} : vector<1024x512xf32>, vector<512x1024xf32>, vector<1024x1024xf32> -> vector<1024x1024xf32>
    %add3A_155 = vector.broadcast %get3A_152 : vector<1024x1xf32> to vector<1024x1024xf32>
    %add3A_156 = arith.addf %add3A_155, %dot_general3A_154 : vector<1024x1024xf32>
    %reduce_min3A_157 = arith.constant dense<0x7F800000> : vector<1024xf32>
    %reduce_min3A_158 = vector.multi_reduction <minimumf>, %add3A_156, %reduce_min3A_157 [0] : vector<1024x1024xf32> to vector<1024xf32>
    %broadcast_in_dim3A_159 = vector.shape_cast %reduce_min3A_158 : vector<1024xf32> to vector<1x1024xf32>
    %eq3A_160 = vector.broadcast %broadcast_in_dim3A_159 : vector<1x1024xf32> to vector<1024x1024xf32>
    %eq3A_161 = arith.cmpf oeq, %add3A_156, %eq3A_160 : vector<1024x1024xf32>
    %jit3A_162 = arith.constant 4.096000e+03 : f32
    %broadcast_in_dim3A_163 = vector.broadcast %jit3A_162 : f32 to vector<1024x1024xf32>
    %select_n3A_164 = arith.select %eq3A_161, %convert_element_type3A_7, %broadcast_in_dim3A_163 : vector<1024x1024xi1>, vector<1024x1024xf32>
    %reduce_min3A_165 = arith.constant dense<0x7F800000> : vector<1024xf32>
    %reduce_min3A_166 = vector.multi_reduction <minimumf>, %select_n3A_164, %reduce_min3A_165 [0] : vector<1024x1024xf32> to vector<1024xf32>
    %broadcast_in_dim3A_167 = vector.shape_cast %reduce_min3A_166 : vector<1024xf32> to vector<1x1024xf32>
    %add3A_168 = arith.constant 3.072000e+03 : f32
    %add3A_169 = vector.broadcast %add3A_168 : f32 to vector<1x1024xf32>
    %add3A_170 = arith.addf %broadcast_in_dim3A_167, %add3A_169 : vector<1x1024xf32>
    %add3A_171 = vector.broadcast %broadcast_in_dim3A : vector<1x1024xf32> to vector<1024x1024xf32>
    %add3A_172 = arith.addf %add3A_171, %add3A_156 : vector<1024x1024xf32>
    %max3A_173 = arith.constant 1.000000e-30 : f32
    %max3A_174 = vector.broadcast %max3A_173 : f32 to vector<1024x1024xf32>
    %max3A_175 = arith.maximumf %add3A_172, %max3A_174 : vector<1024x1024xf32>
    %rsqrt3A_176 = math.rsqrt %max3A_175 : vector<1024x1024xf32>
    %mul3A_177 = arith.mulf %max3A_175, %rsqrt3A_176 : vector<1024x1024xf32>
    %mul3A_178 = arith.constant -1.44269502 : f32
    %mul3A_179 = vector.broadcast %mul3A_178 : f32 to vector<1024x1024xf32>
    %mul3A_180 = arith.mulf %mul3A_177, %mul3A_179 : vector<1024x1024xf32>
    %exp23A_181 = math.exp2 %mul3A_180 : vector<1024x1024xf32>
    %reduce_sum3A_182 = arith.constant dense<0.000000e+00> : vector<1024xf32>
    %reduce_sum3A_183 = vector.multi_reduction <add>, %exp23A_181, %reduce_sum3A_182 [0] : vector<1024x1024xf32> to vector<1024xf32>
    %broadcast_in_dim3A_184 = vector.shape_cast %reduce_sum3A_183 : vector<1024xf32> to vector<1x1024xf32>
    %add3A_185 = arith.addf %add3A_138, %broadcast_in_dim3A_184 : vector<1x1024xf32>
    %mul3A_186 = arith.mulf %exp23A_181, %mul3A_177 : vector<1024x1024xf32>
    %reduce_sum3A_187 = arith.constant dense<0.000000e+00> : vector<1024xf32>
    %reduce_sum3A_188 = vector.multi_reduction <add>, %mul3A_186, %reduce_sum3A_187 [0] : vector<1024x1024xf32> to vector<1024xf32>
    %broadcast_in_dim3A_189 = vector.shape_cast %reduce_sum3A_188 : vector<1024xf32> to vector<1x1024xf32>
    %add3A_190 = arith.addf %add3A_143, %broadcast_in_dim3A_189 : vector<1x1024xf32>
    %lt3A_191 = arith.cmpf olt, %broadcast_in_dim3A_159, %min3A_146 : vector<1x1024xf32>
    %select_n3A_192 = arith.select %lt3A_191, %add3A_170, %select_n3A_145 : vector<1x1024xi1>, vector<1x1024xf32>
    %log3A = math.log %add3A_185 : vector<1x1024xf32>
    %div3A = arith.divf %add3A_190, %add3A_185 : vector<1x1024xf32>
    %add3A_193 = arith.addf %log3A, %div3A : vector<1x1024xf32>
    %swap3A = arith.constant 0 : index
    %swap3A_194 = arith.constant 0 : index
    %swap3A_195 = arith.constant 0 : index
    %swap3A_196 = vector.load %arg5[%swap3A, %swap3A_194, %swap3A_195] : memref<1x1x1024xf32, #tpu.memory_space<vmem>>, vector<1x1x1024xf32>
    %swap3A_197 = vector.shape_cast %swap3A_196 : vector<1x1x1024xf32> to vector<1x1024xf32>
    %swap3A_198 = vector.shape_cast %add3A_193 : vector<1x1024xf32> to vector<1x1x1024xf32>
    tpu.vector_store %arg5[%swap3A, %swap3A_194, %swap3A_195], %swap3A_198 {strides = array<i32>} : memref<1x1x1024xf32, #tpu.memory_space<vmem>>, vector<1x1x1024xf32>,
    %convert_element_type3A_199 = arith.fptosi %select_n3A_192 : vector<1x1024xf32> to vector<1x1024xi32>
    %swap3A_200 = arith.constant 0 : index
    %swap3A_201 = arith.constant 0 : index
    %swap3A_202 = arith.constant 0 : index
    %swap3A_203 = vector.load %arg4[%swap3A_200, %swap3A_201, %swap3A_202] : memref<1x1x1024xi32, #tpu.memory_space<vmem>>, vector<1x1x1024xi32>
    %swap3A_204 = vector.shape_cast %swap3A_203 : vector<1x1x1024xi32> to vector<1x1024xi32>
    %swap3A_205 = vector.shape_cast %convert_element_type3A_199 : vector<1x1024xi32> to vector<1x1x1024xi32>
    tpu.vector_store %arg4[%swap3A_200, %swap3A_201, %swap3A_202], %swap3A_205 {strides = array<i32>} : memref<1x1x1024xi32, #tpu.memory_space<vmem>>, vector<1x1x1024xi32>,
    %get3A_206 = arith.constant 0 : index
    %get3A_207 = arith.constant 0 : index
    %get3A_208 = arith.constant 0 : index
    %get3A_209 = vector.load %arg3[%get3A_206, %get3A_207, %get3A_208] : memref<1x1x1024xi32, #tpu.memory_space<vmem>>, vector<1x1x1024xi32>
    %get3A_210 = vector.shape_cast %get3A_209 : vector<1x1x1024xi32> to vector<1x1024xi32>
    %shift_right_arithmetic3A = arith.constant 3 : i32
    %shift_right_arithmetic3A_211 = vector.broadcast %shift_right_arithmetic3A : i32 to vector<1x1024xi32>
    %shift_right_arithmetic3A_212 = arith.shrsi %get3A_210, %shift_right_arithmetic3A_211 : vector<1x1024xi32>
    %shift_left3A = arith.constant 15 : i32
    %shift_left3A_213 = vector.broadcast %shift_left3A : i32 to vector<1x1024xi32>
    %shift_left3A_214 = arith.shli %shift_right_arithmetic3A_212, %shift_left3A_213 : vector<1x1024xi32>
    %shift_right_arithmetic3A_215 = arith.constant 7 : i32
    %shift_right_arithmetic3A_216 = vector.broadcast %shift_right_arithmetic3A_215 : i32 to vector<1x1024xi32>
    %shift_right_arithmetic3A_217 = arith.shrsi %convert_element_type3A_199, %shift_right_arithmetic3A_216 : vector<1x1024xi32>
    %shift_left3A_218 = arith.constant 10 : i32
    %shift_left3A_219 = vector.broadcast %shift_left3A_218 : i32 to vector<1x1024xi32>
    %shift_left3A_220 = arith.shli %shift_right_arithmetic3A_217, %shift_left3A_219 : vector<1x1024xi32>
    %add3A_221 = arith.addi %shift_left3A_214, %shift_left3A_220 : vector<1x1024xi32>
    %and3A = arith.constant 7 : i32
    %and3A_222 = vector.broadcast %and3A : i32 to vector<1x1024xi32>
    %and3A_223 = arith.andi %get3A_210, %and3A_222 : vector<1x1024xi32>
    %shift_left3A_224 = arith.constant 7 : i32
    %shift_left3A_225 = vector.broadcast %shift_left3A_224 : i32 to vector<1x1024xi32>
    %shift_left3A_226 = arith.shli %and3A_223, %shift_left3A_225 : vector<1x1024xi32>
    %add3A_227 = arith.addi %add3A_221, %shift_left3A_226 : vector<1x1024xi32>
    %and3A_228 = arith.constant 127 : i32
    %and3A_229 = vector.broadcast %and3A_228 : i32 to vector<1x1024xi32>
    %and3A_230 = arith.andi %convert_element_type3A_199, %and3A_229 : vector<1x1024xi32>
    %add3A_231 = arith.addi %add3A_227, %and3A_230 : vector<1x1024xi32>
    %swap3A_232 = arith.constant 0 : index
    %swap3A_233 = arith.constant 0 : index
    %swap3A_234 = arith.constant 0 : index
    %swap3A_235 = vector.load %arg6[%swap3A_232, %swap3A_233, %swap3A_234] : memref<1x1x1024xi32, #tpu.memory_space<vmem>>, vector<1x1x1024xi32>
    %swap3A_236 = vector.shape_cast %swap3A_235 : vector<1x1x1024xi32> to vector<1x1024xi32>
    %swap3A_237 = vector.shape_cast %add3A_231 : vector<1x1024xi32> to vector<1x1x1024xi32>
    tpu.vector_store %arg6[%swap3A_232, %swap3A_233, %swap3A_234], %swap3A_237 {strides = array<i32>} : memref<1x1x1024xi32, #tpu.memory_space<vmem>>, vector<1x1x1024xi32>,
    return
  }
  func.func @transform_0(%arg0: i32) -> (i32, i32, i32) {
    %jit3A = arith.constant 1 : i32
    %div3A = arith.divsi %arg0, %jit3A : i32
    %sign3A = arith.constant 0 : i32
    %sign3A_0 = arith.cmpi sgt, %arg0, %sign3A : i32
    %sign3A_1 = arith.extui %sign3A_0 : i1 to i32
    %sign3A_2 = arith.constant 0 : i32
    %sign3A_3 = arith.cmpi slt, %arg0, %sign3A_2 : i32
    %sign3A_4 = arith.extui %sign3A_3 : i1 to i32
    %sign3A_5 = arith.subi %sign3A_1, %sign3A_4 : i32
    %sign3A_6 = arith.constant 0 : i32
    %sign3A_7 = arith.cmpi sgt, %jit3A, %sign3A_6 : i32
    %sign3A_8 = arith.extui %sign3A_7 : i1 to i32
    %sign3A_9 = arith.constant 0 : i32
    %sign3A_10 = arith.cmpi slt, %jit3A, %sign3A_9 : i32
    %sign3A_11 = arith.extui %sign3A_10 : i1 to i32
    %sign3A_12 = arith.subi %sign3A_8, %sign3A_11 : i32
    %ne3A = arith.cmpi ne, %sign3A_5, %sign3A_12 : i32
    %rem3A = arith.remsi %arg0, %jit3A : i32
    %ne3A_13 = arith.constant 0 : i32
    %ne3A_14 = arith.cmpi ne, %rem3A, %ne3A_13 : i32
    %and3A = arith.andi %ne3A, %ne3A_14 : i1
    %sub3A = arith.constant 1 : i32
    %sub3A_15 = arith.subi %div3A, %sub3A : i32
    %select_n3A = arith.select %and3A, %sub3A_15, %div3A : i32
    %jit3A_16 = arith.constant 1 : i32
    %eq3A = arith.constant 0 : i32
    %eq3A_17 = arith.cmpi eq, %jit3A_16, %eq3A : i32
    %jit3A_18 = arith.constant 1 : i32
    %select_n3A_19 = arith.select %eq3A_17, %jit3A_18, %jit3A_16 : i32
    %rem3A_20 = arith.remsi %arg0, %select_n3A_19 : i32
    %ne3A_21 = arith.constant 0 : i32
    %ne3A_22 = arith.cmpi ne, %rem3A_20, %ne3A_21 : i32
    %lt3A = arith.constant 0 : i32
    %lt3A_23 = arith.cmpi slt, %rem3A_20, %lt3A : i32
    %lt3A_24 = arith.constant 0 : i32
    %lt3A_25 = arith.cmpi slt, %select_n3A_19, %lt3A_24 : i32
    %ne3A_26 = arith.xori %lt3A_23, %lt3A_25 : i1
    %and3A_27 = arith.andi %ne3A_26, %ne3A_22 : i1
    %add3A = arith.addi %rem3A_20, %select_n3A_19 : i32
    %select_n3A_28 = arith.select %and3A_27, %add3A, %rem3A_20 : i32
    %c0_i32 = arith.constant 0 : i32
    %c0_i32_29 = arith.constant 0 : i32
    return %select_n3A, %c0_i32, %select_n3A_28 : i32, i32, i32
  }
  func.func @transform_1(%arg0: i32) -> (i32, i32) {
    %c0_i32 = arith.constant 0 : i32
    %c0_i32_0 = arith.constant 0 : i32
    %c0_i32_1 = arith.constant 0 : i32
    return %c0_i32, %c0_i32_0 : i32, i32
  }
  func.func @transform_2(%arg0: i32) -> (i32, i32, i32) {
    %c0_i32 = arith.constant 0 : i32
    %c0_i32_0 = arith.constant 0 : i32
    %c0_i32_1 = arith.constant 0 : i32
    return %arg0, %c0_i32, %c0_i32_0 : i32, i32, i32
  }
  func.func @transform_3(%arg0: i32) -> (i32, i32, i32) {
    %c0_i32 = arith.constant 0 : i32
    %c0_i32_0 = arith.constant 0 : i32
    %c0_i32_1 = arith.constant 0 : i32
    return %arg0, %c0_i32, %c0_i32_0 : i32, i32, i32
  }
  func.func @transform_4(%arg0: i32) -> (i32, i32, i32) {
    %c0_i32 = arith.constant 0 : i32
    %c0_i32_0 = arith.constant 0 : i32
    %c0_i32_1 = arith.constant 0 : i32
    return %arg0, %c0_i32, %c0_i32_0 : i32, i32, i32
  }
  func.func @transform_5(%arg0: i32) -> (i32, i32, i32) {
    %c0_i32 = arith.constant 0 : i32
    %c0_i32_0 = arith.constant 0 : i32
    %c0_i32_1 = arith.constant 0 : i32
    return %arg0, %c0_i32, %c0_i32_0 : i32, i32, i32
  }
}

module attributes {stable_mosaic.version = 14 : i64} {
  func.func @_reduce_body(%arg0: memref<32x128xf32, #tpu.memory_space<vmem>>, %arg1: memref<32x128xi32, #tpu.memory_space<vmem>>, %arg2: memref<32x128xi32, #tpu.memory_space<vmem>>, %arg3: memref<32x128xf32, #tpu.memory_space<vmem>>, %arg4: memref<1x1xf32, #tpu.memory_space<vmem>>, %arg5: memref<1x1xf32, #tpu.memory_space<vmem>>, %arg6: memref<1x1xf32, #tpu.memory_space<vmem>>, %arg7: memref<1x1xf32, #tpu.memory_space<vmem>>) attributes {dimension_semantics = [], scalar_prefetch = 0 : i64, scratch_operands = 0 : i64, tpu.core_type = #tpu.core_type<tc>} {
    %get3A = arith.constant 0 : index
    %get3A_0 = arith.constant 0 : index
    %get3A_1 = vector.load %arg0[%get3A, %get3A_0] : memref<32x128xf32, #tpu.memory_space<vmem>>, vector<32x128xf32>
    %reduce_sum3A = vector.shape_cast %get3A_1 : vector<32x128xf32> to vector<1x32x128xf32>
    %reduce_sum3A_2 = arith.constant dense<0.000000e+00> : vector<1xf32>
    %reduce_sum3A_3 = vector.multi_reduction <add>, %reduce_sum3A, %reduce_sum3A_2 [1, 2] : vector<1x32x128xf32> to vector<1xf32>
    %reduce_sum3A_4 = vector.shape_cast %reduce_sum3A_3 : vector<1xf32> to vector<1x1x1xf32>
    %reduce_sum3A_5 = vector.extract %reduce_sum3A_4[0, 0, 0] : f32 from vector<1x1x1xf32>
    %broadcast_in_dim3A = vector.broadcast %reduce_sum3A_5 : f32 to vector<1x1xf32>
    %div3A = arith.constant 4.096000e+03 : f32
    %div3A_6 = vector.broadcast %div3A : f32 to vector<1x1xf32>
    %div3A_7 = arith.divf %broadcast_in_dim3A, %div3A_6 : vector<1x1xf32>
    %swap3A = arith.constant 0 : index
    %swap3A_8 = arith.constant 0 : index
    %swap3A_9 = vector.load %arg4[%swap3A, %swap3A_8] : memref<1x1xf32, #tpu.memory_space<vmem>>, vector<1x1xf32>
    tpu.vector_store %arg4[%swap3A, %swap3A_8], %div3A_7 {strides = array<i32>} : memref<1x1xf32, #tpu.memory_space<vmem>>, vector<1x1xf32>,
    %get3A_10 = arith.constant 0 : index
    %get3A_11 = arith.constant 0 : index
    %get3A_12 = vector.load %arg1[%get3A_10, %get3A_11] : memref<32x128xi32, #tpu.memory_space<vmem>>, vector<32x128xi32>
    %get3A_13 = arith.constant 0 : index
    %get3A_14 = arith.constant 0 : index
    %get3A_15 = vector.load %arg2[%get3A_13, %get3A_14] : memref<32x128xi32, #tpu.memory_space<vmem>>, vector<32x128xi32>
    %eq3A = arith.cmpi eq, %get3A_12, %get3A_15 : vector<32x128xi32>
    %convert_element_type3A = arith.extui %eq3A : vector<32x128xi1> to vector<32x128xi32>
    %convert_element_type3A_16 = arith.sitofp %convert_element_type3A : vector<32x128xi32> to vector<32x128xf32>
    %reduce_sum3A_17 = vector.shape_cast %convert_element_type3A_16 : vector<32x128xf32> to vector<1x32x128xf32>
    %reduce_sum3A_18 = arith.constant dense<0.000000e+00> : vector<1xf32>
    %reduce_sum3A_19 = vector.multi_reduction <add>, %reduce_sum3A_17, %reduce_sum3A_18 [1, 2] : vector<1x32x128xf32> to vector<1xf32>
    %reduce_sum3A_20 = vector.shape_cast %reduce_sum3A_19 : vector<1xf32> to vector<1x1x1xf32>
    %reduce_sum3A_21 = vector.extract %reduce_sum3A_20[0, 0, 0] : f32 from vector<1x1x1xf32>
    %broadcast_in_dim3A_22 = vector.broadcast %reduce_sum3A_21 : f32 to vector<1x1xf32>
    %div3A_23 = arith.constant 4.096000e+03 : f32
    %div3A_24 = vector.broadcast %div3A_23 : f32 to vector<1x1xf32>
    %div3A_25 = arith.divf %broadcast_in_dim3A_22, %div3A_24 : vector<1x1xf32>
    %swap3A_26 = arith.constant 0 : index
    %swap3A_27 = arith.constant 0 : index
    %swap3A_28 = vector.load %arg5[%swap3A_26, %swap3A_27] : memref<1x1xf32, #tpu.memory_space<vmem>>, vector<1x1xf32>
    tpu.vector_store %arg5[%swap3A_26, %swap3A_27], %div3A_25 {strides = array<i32>} : memref<1x1xf32, #tpu.memory_space<vmem>>, vector<1x1xf32>,
    %get3A_29 = arith.constant 0 : index
    %get3A_30 = arith.constant 0 : index
    %get3A_31 = vector.load %arg3[%get3A_29, %get3A_30] : memref<32x128xf32, #tpu.memory_space<vmem>>, vector<32x128xf32>
    %reduce_sum3A_32 = vector.shape_cast %get3A_31 : vector<32x128xf32> to vector<1x32x128xf32>
    %reduce_sum3A_33 = arith.constant dense<0.000000e+00> : vector<1xf32>
    %reduce_sum3A_34 = vector.multi_reduction <add>, %reduce_sum3A_32, %reduce_sum3A_33 [1, 2] : vector<1x32x128xf32> to vector<1xf32>
    %reduce_sum3A_35 = vector.shape_cast %reduce_sum3A_34 : vector<1xf32> to vector<1x1x1xf32>
    %reduce_sum3A_36 = vector.extract %reduce_sum3A_35[0, 0, 0] : f32 from vector<1x1x1xf32>
    %broadcast_in_dim3A_37 = vector.broadcast %reduce_sum3A_36 : f32 to vector<1x1xf32>
    %div3A_38 = arith.constant 4.096000e+03 : f32
    %div3A_39 = vector.broadcast %div3A_38 : f32 to vector<1x1xf32>
    %div3A_40 = arith.divf %broadcast_in_dim3A_37, %div3A_39 : vector<1x1xf32>
    %swap3A_41 = arith.constant 0 : index
    %swap3A_42 = arith.constant 0 : index
    %swap3A_43 = vector.load %arg6[%swap3A_41, %swap3A_42] : memref<1x1xf32, #tpu.memory_space<vmem>>, vector<1x1xf32>
    tpu.vector_store %arg6[%swap3A_41, %swap3A_42], %div3A_40 {strides = array<i32>} : memref<1x1xf32, #tpu.memory_space<vmem>>, vector<1x1xf32>,
    %sub3A = vector.broadcast %div3A_7 : vector<1x1xf32> to vector<32x128xf32>
    %sub3A_44 = arith.subf %get3A_1, %sub3A : vector<32x128xf32>
    %integer_pow3A = arith.mulf %sub3A_44, %sub3A_44 : vector<32x128xf32>
    %reduce_sum3A_45 = vector.shape_cast %integer_pow3A : vector<32x128xf32> to vector<1x32x128xf32>
    %reduce_sum3A_46 = arith.constant dense<0.000000e+00> : vector<1xf32>
    %reduce_sum3A_47 = vector.multi_reduction <add>, %reduce_sum3A_45, %reduce_sum3A_46 [1, 2] : vector<1x32x128xf32> to vector<1xf32>
    %reduce_sum3A_48 = vector.shape_cast %reduce_sum3A_47 : vector<1xf32> to vector<1x1x1xf32>
    %reduce_sum3A_49 = vector.extract %reduce_sum3A_48[0, 0, 0] : f32 from vector<1x1x1xf32>
    %broadcast_in_dim3A_50 = vector.broadcast %reduce_sum3A_49 : f32 to vector<1x1xf32>
    %sub3A_51 = arith.constant 4.096000e+03 : f32
    %sub3A_52 = arith.constant 1.000000e+00 : f32
    %sub3A_53 = arith.subf %sub3A_51, %sub3A_52 : f32
    %div3A_54 = vector.broadcast %sub3A_53 : f32 to vector<1x1xf32>
    %div3A_55 = arith.divf %broadcast_in_dim3A_50, %div3A_54 : vector<1x1xf32>
    %sqrt3A = math.sqrt %div3A_55 : vector<1x1xf32>
    %swap3A_56 = arith.constant 0 : index
    %swap3A_57 = arith.constant 0 : index
    %swap3A_58 = vector.load %arg7[%swap3A_56, %swap3A_57] : memref<1x1xf32, #tpu.memory_space<vmem>>, vector<1x1xf32>
    tpu.vector_store %arg7[%swap3A_56, %swap3A_57], %sqrt3A {strides = array<i32>} : memref<1x1xf32, #tpu.memory_space<vmem>>, vector<1x1xf32>,
    return
  }
}

</mosaic_0001>

<sc_bundles>
// kernel: kernel.5.cloned.1.call-start
scs
__scs_entry_jumppad:
0x0: {  	(pc) =	sbr.rel $0x88, $3  }
0x1: {  	(tag) =	ssettag $0x0;
	lr =	simm.s32 $0x1  }
0x2: {  	[smem:$0x3F9D] =	sst lr;
	_ =	strace $0xD0000000  }
0x3: {  	_ = 	snop  }
0x4: {  	_ = 	snop  }
0x5: {  	_ = 	snop  }
0x6: {  	_ = 	snop  }
0x7: {  	_ = 	snop  }
__scs_overlays_trampoline_lowered:
0x8: {  	[smem:$0x3FAC] =	sst s0  }
0x9: {  	[smem:$0x3FAD] =	sst s1  }
0xa: {  	[smem:$0x3FAE] =	sst s2  }
0xb: {  	[smem:$0x3FAF] =	sst s3  }
0xc: {  	[smem:$0x3FB0] =	sst s4  }
0xd: {  	[smem:$0x3FB1] =	sst s5  }
0xe: {  	[smem:$0x3FB2] =	sst s6  }
0xf: {  	[smem:$0x3FB3] =	sst s7  }
0x10: {  	[smem:$0x3FB4] =	sst s8  }
0x11: {  	[smem:$0x3FB5] =	sst s9;
	s0 =	simm.s32 @!p0 $0x0  }
0x12: {  	s1 =	sld [smem:$0x3F9B];
	s0 =	simm.s32 @p0 $0x1  }
0x13: {  	[smem:$0x3FB6] =	sst s0;
	s0 =	simm.s32 @!p1 $0x0  }
0x14: {  	s2 =	sld [smem:$0x3F9A];
	s0 =	simm.s32 @p1 $0x1  }
0x15: {  	[smem:$0x3FB7] =	sst s0;
	s0 =	simm.s32 @!p2 $0x0  }
0x16: {  	s3 =	sld [smem:$0x3FDB];
	s0 =	simm.s32 @p2 $0x1  }
0x17: {  	s4 =	simm.s32 $0x1BF5;
	[smem:$0x3FB9] =	sst s0  }
0x18: {  	s0 =	sld [smem:$0x3F9C];
	_ =	swait.ge [sflag:s4], $0x0  }
0x19: {  	s7 =	sld [smem:$0x3F9D]  }
0x1a: {  	s8 =	sadd.s32 $0xFFFFE003, lr  }
0x1b: {  	s9 =	sadd.s32 $0xFFFFFEF7, lr;
	s5 =	simm.s32 $0xFFFFFFFF;
	p2 =	slt.u32 s8, $0xFFFFF086  }
0x1c: {  	p1 =	slt.u32 s9, $0xF7A;
	s5 =	simm.s32 @!p2 $0x0  }
0x1d: {  	s5 =	simm.s32 @p1 $0x1;
	p0 =	seq.s32 s7, s2  }
0x1e: {  	s7 =	smul.u32 @!p0 $0xF7A, s2;
	p2 =	seq.s32 @!p0 s5, $0x0  }
0x1f: {  	s9 =	smul.u32 $0xF7A, s1;
	s8 =	simm.s32 @!p0 $0x1BF5;
	p2 =	por !p2, p0  }
0x20: {  	[sflag:s8] =	ssyncset.s32 @!p0 $0xFFFFF086;
	s6 =	sadd.s32 @!p0 s3, s7;
	s7 =	simm.s32 @!p0 $0x108  }
0x21: {  	s3 =	sadd.s32 s3, s9;
	s6 =	sadd.s32 @!p0 $0x88, s6;
	s7 =	simm.s32 @p2 $0x1082  }
0x22: {  	[simem:s7], [sflag:s8] =	dma.local @!p0 [hbm:s6], $0xF7A  }
0x23: {  	s9 =	sor.u32 $0xD0000000, s2;
	s6 =	simm.s32 $0x108;
	_ =	swait.ge @!p0 [sflag:s8], $0x0  }
0x24: {  	s3 =	sadd.s32 $0x88, s3;
	s6 =	simm.s32 @!p1 $0x1082;
	[sflag:s4] =	ssyncset.s32 $0xFFFFF086  }
0x25: {  	[simem:s6], [sflag:s4] =	dma.local [hbm:s3], $0xF7A  }
0x26: {  	[smem:$0x3F9D] =	sst s1;
	(tag) =	ssettag s2;
	_ =	strace s9  }
0x27: {  	s1 =	sld [smem:$0x3FAD]  }
0x28: {  	s2 =	sld [smem:$0x3FAE]  }
0x29: {  	s4 =	sld [smem:$0x3FB0]  }
0x2a: {  	p0 =	seq.s32 s5, $0x0;
	s5 =	sld [smem:$0x3FB1]  }
0x2b: {  	s6 =	sld [smem:$0x3FB2]  }
0x2c: {  	s7 =	sld [smem:$0x3FB3]  }
0x2d: {  	s3 =	simm.s32 $0x108;
	s8 =	sld [smem:$0x3FB4]  }
0x2e: {  	s3 =	simm.s32 @!p0 $0x1082;
	s9 =	sld [smem:$0x3FB5]  }
0x2f: {  	lr =	sadd.s32 s0, s3;
	s0 =	sld [smem:$0x3FAC]  }
0x30: {  	s3 =	sld [smem:$0x3FAF]  }
0x31: {  	[smem:$0x3FB8] =	sst s10  }
0x32: {  	s10 =	sld [smem:$0x3FB6];
	_ =	sdelay $0x3  }
0x33: {  	p0 =	seq.s32 s10, $0x1;
	s10 =	sld [smem:$0x3FB8];
	_ =	sdelay $0x3  }
0x34: {  	[smem:$0x3FB8] =	sst s10  }
0x35: {  	s10 =	sld [smem:$0x3FB7];
	_ =	sdelay $0x3  }
0x36: {  	p1 =	seq.s32 s10, $0x1;
	s10 =	sld [smem:$0x3FB8];
	_ =	sdelay $0x3  }
0x37: {  	[smem:$0x3FB8] =	sst s10  }
0x38: {  	s10 =	sld [smem:$0x3FB9]  }
0x39: {  	_ = 	snop;
	(pc) =	sbr.ind lr, $3  }
0x3a: {  	_ = 	snop  }
0x3b: {  	_ = 	snop  }
0x3c: {  	p2 =	seq.s32 s10, $0x1;
	s10 =	sld [smem:$0x3FB8]  }
0x3d: {  	_ =	shalt  }
0x3e: {  	_ =	shalt  }
0x3f: {  	_ =	shalt  }
0x40: {  	_ =	shalt  }
0x41: {  	_ =	shalt  }
0x42: {  	_ =	shalt  }
0x43: {  	_ =	shalt  }
0x44: {  	_ =	shalt  }
0x45: {  	_ =	shalt  }
0x46: {  	_ =	shalt  }
0x47: {  	_ =	shalt  }
0x48: {  	_ =	shalt  }
0x49: {  	_ =	shalt  }
0x4a: {  	_ =	shalt  }
0x4b: {  	_ =	shalt  }
0x4c: {  	_ =	shalt  }
0x4d: {  	_ =	shalt  }
0x4e: {  	_ =	shalt  }
0x4f: {  	_ =	shalt  }
0x50: {  	_ =	shalt  }
0x51: {  	_ =	shalt  }
0x52: {  	_ =	shalt  }
0x53: {  	_ =	shalt  }
0x54: {  	_ =	shalt  }
0x55: {  	_ =	shalt  }
0x56: {  	_ =	shalt  }
0x57: {  	_ =	shalt  }
0x58: {  	_ =	shalt  }
0x59: {  	_ =	shalt  }
0x5a: {  	_ =	shalt  }
0x5b: {  	_ =	shalt  }
0x5c: {  	_ =	shalt  }
0x5d: {  	_ =	shalt  }
0x5e: {  	_ =	shalt  }
0x5f: {  	_ =	shalt  }
0x60: {  	_ =	shalt  }
0x61: {  	_ =	shalt  }
0x62: {  	_ =	shalt  }
0x63: {  	_ =	shalt  }
0x64: {  	_ =	shalt  }
0x65: {  	_ =	shalt  }
0x66: {  	_ =	shalt  }
0x67: {  	_ =	shalt  }
0x68: {  	_ =	shalt  }
0x69: {  	_ =	shalt  }
0x6a: {  	_ =	shalt  }
0x6b: {  	_ =	shalt  }
0x6c: {  	_ =	shalt  }
0x6d: {  	_ =	shalt  }
0x6e: {  	_ =	shalt  }
0x6f: {  	_ =	shalt  }
0x70: {  	_ =	shalt  }
0x71: {  	_ =	shalt  }
0x72: {  	_ =	shalt  }
0x73: {  	_ =	shalt  }
0x74: {  	_ =	shalt  }
0x75: {  	_ =	shalt  }
0x76: {  	_ =	shalt  }
0x77: {  	_ =	shalt  }
0x78: {  	_ =	shalt  }
0x79: {  	_ =	shalt  }
0x7a: {  	_ =	shalt  }
0x7b: {  	_ =	shalt  }
0x7c: {  	_ =	shalt  }
0x7d: {  	_ =	shalt  }
0x7e: {  	_ =	shalt  }
0x7f: {  	_ =	shalt  }
0x80: {  	_ =	shalt  }
0x81: {  	_ =	shalt  }
0x82: {  	_ =	shalt  }
0x83: {  	_ =	shalt  }
0x84: {  	_ =	shalt  }
0x85: {  	_ =	shalt  }
0x86: {  	_ =	shalt  }
0x87: {  	_ =	shalt  }
.Lfunc_end0:
.L_simem_size_0:
called_computation_lowered:
.L_overlay_start_0:
0x88: {  	s2 =	sld [smem:$0x3FD9]  }
0x89: {  	s3 =	sld [smem:$0x3FFE];
	_ =	sdelay $0x1  }
0x8a: {  	s1 =	srdreg.scid  }
0x8b: {  	s0 =	sand.u32 $0x1, s1  }
0x8c: {  	s17 =	sshll.u32 s0, $0xA;
	s2 =	sadd.s32 s3, s2  }
0x8d: {  	s2 =	sadd.s32 s2, s17  }
0x8e: {  	[smem:$0x3FC4] =	sst s2  }
0x8f: {  	_ = 	snop  }
0x90: {  	s2 =	sld [smem:$0x3FC6];
	(tm) =	ssettm $0x1  }
0x91: {  	s18 =	sld [smem:$0x3FFB];
	_ =	sdelay $0x3  }
0x92: {  	_ =	strace s18  }
0x93: {  	s3 =	sld [smem:$0x3FFC];
	_ =	sdelay $0x3  }
0x94: {  	_ =	strace s3  }
0x95: {  	s3 =	sld [smem:$0x3FFD];
	_ =	sdelay $0x3  }
0x96: {  	_ =	strace s3  }
0x97: {  	_ =	strace $0x8FFFFFFF  }
0x98: {  	s19 =	sld [smem:$0x3FDB];
	_ =	sdelay $0x1  }
0x99: {  	s4 =	simm.s32 $_scs_section_size  }
0x9a: {  	s5 =	simm.s32 $_size__tile_overlayer_lowered;
	s6 =	simm.s32 $_tile_overlayer_lowered  }
0x9b: {  	s22 =	simm.s32 $0x1BFF;
	s21 =	sshll.u32 s6, $0x1;
	s3 =	sadd.s32 s4, s19  }
0x9c: {  	s7 =	simm.s32 $0x0;
	s20 =	sshll.u32 s5, $0x1;
	s5 =	sadd.s32 s21, s3  }
0x9d: {  	[timem:s7], [sflag:s22] =	dma.local [hbm:s5], s20  }
0x9e: {  	_ =	swait.ge [sflag:s22], s20  }
0x9f: {  	s4 =	ssub.s32 $0x0, s20;
	[sflag:s22] =	ssyncset.done $0x0  }
0xa0: {  	[sflag:s22] =	ssyncadd.s32 s4;
	_ =	sdelay $0x1  }
0xa1: {  	s23 =	simm.s32 $0x1B8B  }
0xa2: {  	_ =	swait.ge [sflag:s23], $0x1  }
0xa3: {  	[sflag:s23] =	ssyncset.done $0x0  }
0xa4: {  	s25 =	simm.s32 $0x1B8E;
	s24 =	sld [smem:$0x3FFE];
	[sflag:s23] =	ssyncadd.s32 $0xFFFFFFFF  }
0xa5: {  	s26 =	simm.s32 $execute0_lowered;
	[smem:$0x3FD2] =	sst s25  }
0xa6: {  	s5 =	sshll.u32 s26, $0x1;
	_ =	strace $0x80000046;
	[dreg:$0x1] =	wrdreg $0xFFFFFFFF  }
0xa7: {  	s28 =	simm.s32 $_size_execute0_lowered;
	s3 =	sadd.s32 s3, s5;
	[dreg:$0x0] =	wrdreg $0x0  }
0xa8: {  	s5 =	sshll.u32 s28, $0x1;
	[dreg:$0x2] =	wrdreg s3  }
0xa9: {  	[dreg:$0x3] =	wrdreg s5  }
0xaa: {  	[dreg:$0x4] =	wrdreg $0xC0  }
0xab: {  	_ =	task [dreg:s7], $0x5FFFF  }
0xac: {  	[dreg:$0x1] =	wrdreg $0xFFFFFFFF  }
0xad: {  	[dreg:$0x0] =	wrdreg $0x60  }
0xae: {  	[dreg:$0x2] =	wrdreg s2  }
0xaf: {  	[dreg:$0x3] =	wrdreg s24  }
0xb0: {  	[dreg:$0x4] =	wrdreg $0x9  }
0xb1: {  	_ =	task.clear_ibuf [dreg:s7], $0x5FFFF;
	_ =	strace $0x90000046  }
0xb2: {  	s29 =	simm.s32 $0x9;
	_ =	strace $0x80000048  }
0xb3: {  	_ =	swait.ge [sflag:s29], $0x1  }
0xb4: {  	[sflag:s29] =	ssyncadd.s32 $0xFFFFFFFF  }
0xb5: {  	_ =	strace $0x90000048  }
0xb6: {  	_ =	sfence  }
0xb7: {  	s30 =	sld [smem:$0x0];
	_ =	sdelay $0x2  }
0xb8: {  	s31 =	sshll.u32 s1, $0xD;
	s1 =	sshrl.u32 s1, $0x2  }
0xb9: {  	s3 =	sand.u32 $0x4000, s31;
	s1 =	sadd.s32 s1, s30  }
0xba: {  	s0 =	sor.u32 s3, s0;
	s1 =	sshll.u32 s1, $0x11  }
0xbb: {  	s0 =	sor.u32 s1, s0  }
0xbc: {  	s0 =	sadd.s32 $0x8F2B, s0  }
0xbd: {  	[sflag:s0] =	ssyncadd.remote.s32 $0x1  }
0xbe: {  	_ =	sfence.sel $0xFFFF  }
0xbf: {  	[dreg:$0x0] =	wrdreg $0xFFFFFFFF;
	(pc) =	sbr.abs _section_cstart, $3  }
0xc0: {  	[dreg:$0x1] =	wrdreg $0xFFFFFFFF  }
0xc1: {  	_ =	task.clear_ibuf [dreg:s7], $0x2FFFF;
	_ =	strace $0x9FFFFFFF  }
0xc2: {  	(tm) =	ssettm $0x7FFFFFFF  }
0xc3: {  	_ =	shalt  }
tec
execute0_lowered:
.L_overlay_start_1:
0x0: {  	(tag) =	ssettag $0x1  }
0x1: {  	s1 =	srdreg.scid;
	s2 =	rddreg [dreg:$0x0]  }
0x2: {  	s0 =	stileid.u32;
	s4 =	rddreg [dreg:$0x1];
	s6 =	sand.u32 $0x1, s1  }
0x3: {  	s3 =	simm.s32 $0x0;
	s5 =	sshll.u32 s0, $0x5;
	s7 =	sshll.u32 s6, $0x4  }
0x4: {  	[smem:$0x7FF] =	sst s3;
	s5 =	sor.u32 s7, s5  }
0x5: {  	s1 =	rddreg [dreg:$0x2];
	_ =	strace $0x80000047;
	s8 =	sadd.s32 s5, s4  }
0x6: {  	s9 =	ssub.s32 $0x2, s6;
	s4 =	simm.s32 $0x2;
	s5 =	sadd.s32 $0x1000, s8  }
0x7: {  	[tilespmem:s3], [sflag:$0x2] =	stream.linear.gather [hbm4b:s5+s3], $0x80, $0x38;
	[tilespmem:$0x100] =	vst v63  }
0x8: {  	s10 =	sshrl.u32 s9, $0x1;
	_ =	swait.ge [sflag:s4], $0x80  }
0x9: {  	s6 =	simm.s32 $0x80;
	s9 =	ssub.s32 s9, s10;
	[sflag:s4] =	ssyncset.done $0x0  }
0xa: {  	s7 =	simm.s32 $0x1;
	s9 =	smax.u32 s9, $0x1;
	[sflag:s4] =	ssyncadd.s32 $0xFFFFFF80  }
0xb: {  	[tilespmem:s6], [sflag:$0x1] =	stream.indirect.gather [hbm4b:s2+s6], $0x1, s3, s6, $0xb8;
	[tilespmem:$0x100] =	vst v63  }
0xc: {  	p0 =	sne.s32 s9, $0x1;
	_ =	swait.ge [sflag:s7], $0x80  }
.Ltmp0:
0xd: {  	[sflag:s7] =	ssyncset.done $0x0;
	(pc) =	sbr.rel @!p0 .LBB2_2-.Ltmp0, $4  }
0xe: {  	s8 =	sadd.s32 $0x1200, s8;
	[sflag:s7] =	ssyncadd.s32 $0xFFFFFF80  }
0xf: {  	[hbm4b:s8+s3] =	stream.linear.scatter [tilespmem:s6], [sflag:$0x2], $0x80, $0x38;
	[tilespmem:$0x100] =	vst v63  }
0x10: {  	_ =	swait.ge [sflag:s4], $0x80  }
0x11: {  	s9 =	sadd.s32 $0xFFFFFFFF, s9;
	[sflag:s4] =	ssyncset.done $0x0  }
.LBB2_1:
0x12: {  	p0 =	sne.s32 s9, $0x1;
	s9 =	sadd.s32 $0xFFFFFFFF, s9;
	[sflag:s4] =	ssyncadd.s32 $0xFFFFFF80  }
0x13: {  	[tilespmem:s3], [sflag:$0x2] =	stream.linear.gather [hbm4b:s5+s3], $0x80, $0x38;
	[tilespmem:$0x100] =	vst v63  }
0x14: {  	_ =	swait.ge [sflag:s4], $0x80  }
0x15: {  	[sflag:s4] =	ssyncset.done $0x0  }
0x16: {  	[sflag:s4] =	ssyncadd.s32 $0xFFFFFF80  }
0x17: {  	[tilespmem:s6], [sflag:$0x1] =	stream.indirect.gather [hbm4b:s2+s6], $0x1, s3, s6, $0xb8;
	[tilespmem:$0x100] =	vst v63  }
0x18: {  	_ =	swait.ge [sflag:s7], $0x80  }
.Ltmp1:
0x19: {  	[sflag:s7] =	ssyncset.done $0x0;
	(pc) =	sbr.rel @p0 .LBB2_1-.Ltmp1, $4  }
0x1a: {  	[sflag:s7] =	ssyncadd.s32 $0xFFFFFF80  }
0x1b: {  	[hbm4b:s8+s3] =	stream.linear.scatter [tilespmem:s6], [sflag:$0x2], $0x80, $0x38;
	[tilespmem:$0x100] =	vst v63  }
0x1c: {  	_ =	swait.ge [sflag:s4], $0x80  }
0x1d: {  	[sflag:s4] =	ssyncset.done $0x0  }
.LBB2_2:
0x1e: {  	[sflag:s4] =	ssyncadd.s32 $0xFFFFFF80  }
0x1f: {  	_ =	sfence.sel $0x180000  }
0x20: {  	[bflag:$0x0] =	sbarrier.arrive $0xFFFF  }
0x21: {  	p0 =	sne.s32 s0, $0x0;
	_ =	strace $0x90000047  }
0x22: {  	s0 =	sadd.s32 @!p0 $0x100000, s1;
	[bflag:$0x2] =	sbarrier.arrive $0xFFFF  }
0x23: {  	[sflag:s0] =	ssyncadd.tile.s32 @!p0 $0x1;
	_ =	shalt  }
.Lfunc_end2:
_tile_overlayer_lowered:
.L_overlay_start_2:
0x24: {  	(tag) =	ssettag $0x2  }
0x25: {  	s0 =	rddreg [dreg:$0x0];
	s2 =	stileid.u32  }
0x26: {  	s1 =	rddreg [dreg:$0x1];
	p0 =	sne.s32 s2, $0x0  }
0x27: {  	s3 =	rddreg [dreg:$0x2];
	[bflag:$0x3] =	sbarrier.arrive $0xFFFF;
	s2 =	simm.s32 @!p0 $0x1C02  }
0x28: {  	[timem:s3], [sflag:s2] =	dma.local @!p0 [hbm:s0], s1  }
0x29: {  	s0 =	simm.s32 @!p0 $0x2  }
0x2a: {  	_ =	swait.ge @!p0 [sflag:s0], s1  }
0x2b: {  	s1 =	ssub.s32 @!p0 $0x0, s1;
	[sflag:s0] =	ssyncset.done @!p0 $0x0  }
0x2c: {  	[sflag:s0] =	ssyncadd.s32 @!p0 s1  }
0x2d: {  	[bflag:$0x3] =	sbarrier.arrive $0xFFFF  }
0x2e: {  	_ =	shalt  }

</sc_bundles>
